<compile_context>
chip_gen: v7x
topology: tpu7x:2x2x1
jax: 0.10.2.dev20260603
libtpu: 0.0.44.dev20260713+nightly
codegen_flags: <defaults>
</compile_context>

<pallas_src>
import functools

import jax
import jax.numpy as jnp
from jax import lax
from jax.experimental import pallas as pl
from jax.experimental.pallas import tpu as pltpu
from jax.experimental.pallas import tpu_sc as plsc

_Q_CONST = 1000.0
_VPD_CONST = 1.5
_LANES = 16


def kernel(Em, i0, k, b, FGs):
    n_fg = Em.shape[0]
    n_out = FGs.shape[0]

    mesh = plsc.VectorSubcoreMesh(
        core_axis_name="c", subcore_axis_name="s",
        num_cores=1, num_subcores=1)

    @functools.partial(
        pl.kernel,
        mesh=mesh,
        out_type=jax.ShapeDtypeStruct((n_out,), jnp.float32),
        scratch_types=[
            pltpu.VMEM((_LANES,), jnp.float32),
            pltpu.VMEM((_LANES,), jnp.float32),
            pltpu.VMEM((_LANES,), jnp.float32),
            pltpu.VMEM((_LANES,), jnp.float32),
            pltpu.VMEM((_LANES,), jnp.int32),
            pltpu.VMEM((_LANES,), jnp.float32),
            pltpu.SemaphoreType.DMA,
        ],
    )
    def _bmf(em_h, i0_h, k_h, b_h, fg_h, out_h,
             em_v, i0_v, k_v, b_v, fg_v, out_v, sem):
        cps = (
            pltpu.async_copy(em_h, em_v.at[pl.ds(0, n_fg)], sem),
            pltpu.async_copy(i0_h, i0_v.at[pl.ds(0, n_fg)], sem),
            pltpu.async_copy(k_h, k_v.at[pl.ds(0, n_fg)], sem),
            pltpu.async_copy(b_h, b_v.at[pl.ds(0, n_fg)], sem),
            pltpu.async_copy(fg_h, fg_v.at[pl.ds(0, n_out)], sem),
        )
        for cp in cps:
            cp.wait()
        idx = jnp.clip(fg_v[...], 0, n_fg - 1)

        dnums = lax.GatherDimensionNumbers(
            offset_dims=(), collapsed_slice_dims=(0,),
            start_index_map=(0,))

        def _gather(vec_ref):
            return lax.gather(
                vec_ref[...], idx.reshape(_LANES, 1), dnums, (1,),
                mode=lax.GatherScatterMode.PROMISE_IN_BOUNDS)

        em_g = _gather(em_v)
        i0_g = _gather(i0_v)
        k_g = _gather(k_v)
        b_g = _gather(b_v)
        qi = _Q_CONST + i0_g
        out_v[...] = em_g * qi / (k_g + b_g * _Q_CONST + qi * _VPD_CONST)
        pltpu.sync_copy(out_v.at[pl.ds(0, n_out)], out_h)

    return _bmf(Em, i0, k, b, FGs.astype(jnp.int32))

# --- scband reference (transcript-rebuilt; emitter-appended) ---
"""Pipeline reference for scband-bmf-65103114273435 (READ-ONLY COPY).

The authoritative reference and input builder live on the scoring server;
editing this copy changes nothing except your own understanding.
"""

import jax, jax.numpy as jnp
import numpy as np

Q_CONST = 1000.0
VPD_CONST = 1.5
NUM_FGS = 1


def setup_inputs(seed: int = 0) -> dict:
    key = jax.random.key(seed)
    # lcpd is None in the torch module -> num_FGs = 1, FGs = [0]
    FGs = jnp.zeros((1,), dtype=jnp.int64)
    # learned parameters, initialized exactly as in the torch module
    Em = jnp.ones((NUM_FGS,), dtype=jnp.float32)
    i0 = jnp.ones((NUM_FGS,), dtype=jnp.float32) * 10.0
    k = jnp.ones((NUM_FGS,), dtype=jnp.float32) * 10000.0
    b = jnp.ones((NUM_FGS,), dtype=jnp.float32) * 10.0
    return {"Em": Em, "i0": i0, "k": k, "b": b, "FGs": FGs}


def reference(Em, i0, k, b, FGs):
    # gather per-FG parameters (embedding-style lookup)
    Em_g = jnp.take(Em, FGs, axis=0)
    i0_g = jnp.take(i0, FGs, axis=0)
    k_g = jnp.take(k, FGs, axis=0)
    b_g = jnp.take(b, FGs, axis=0)
    gs = Em_g * (Q_CONST + i0_g) / (k_g + b_g * Q_CONST + (Q_CONST + i0_g) * VPD_CONST)
    return gs

if __name__ == "__main__":
    import jax
    _d = setup_inputs()
    print(jax.jit(kernel)(*tuple(_d.values())))

</pallas_src>

<mosaic_0001>
#map = affine_map<(d0, d1) -> (0)>
module attributes {stable_mosaic.version = 14 : i64} {
  func.func @_bmf(%arg0: i32, %arg1: i32, %arg2: memref<1xf32, #tpu.memory_space<hbm>>, %arg3: memref<1xf32, #tpu.memory_space<hbm>>, %arg4: memref<1xf32, #tpu.memory_space<hbm>>, %arg5: memref<1xf32, #tpu.memory_space<hbm>>, %arg6: memref<1xi32, #tpu.memory_space<hbm>>, %arg7: memref<1xf32, #tpu.memory_space<hbm>>, %arg8: memref<16xf32, #tpu.memory_space<vmem>>, %arg9: memref<16xf32, #tpu.memory_space<vmem>>, %arg10: memref<16xf32, #tpu.memory_space<vmem>>, %arg11: memref<16xf32, #tpu.memory_space<vmem>>, %arg12: memref<16xi32, #tpu.memory_space<vmem>>, %arg13: memref<16xf32, #tpu.memory_space<vmem>>, %arg14: memref<!tpu.dma_semaphore, #tpu.memory_space<semaphore_mem>>) attributes {dimension_semantics = [#tpu.dimension_semantics<core_parallel>, #tpu.dimension_semantics<subcore_parallel>], iteration_bounds = array<i64: 1, 1>, scalar_prefetch = 0 : i64, scratch_operands = 7 : i64, tpu.core_type = #tpu.core_type<sc_vector_subcore>, window_params = [{transform_indices = #map}, {transform_indices = #map}, {transform_indices = #map}, {transform_indices = #map}, {transform_indices = #map}, {transform_indices = #map}]} {
    %dma_start3A = arith.constant 0 : i32
    %dma_start3A_0 = tpu.memref_slice %arg8[%dma_start3A] : memref<16xf32, #tpu.memory_space<vmem>> -> memref<1xf32, #tpu.memory_space<vmem>>
    %dma_start3A_1 = arith.constant 0 : i32
    %dma_start3A_2 = tpu.memref_slice %arg8[%dma_start3A_1] : memref<16xf32, #tpu.memory_space<vmem>> -> memref<1xf32, #tpu.memory_space<vmem>>
    tpu.enqueue_dma source(%arg2 : memref<1xf32, #tpu.memory_space<hbm>>) target(%dma_start3A_2 : memref<1xf32, #tpu.memory_space<vmem>>) target_semaphore(%arg14 : memref<!tpu.dma_semaphore, #tpu.memory_space<semaphore_mem>>)
    %dma_start3A_3 = arith.constant 0 : i32
    %dma_start3A_4 = tpu.memref_slice %arg9[%dma_start3A_3] : memref<16xf32, #tpu.memory_space<vmem>> -> memref<1xf32, #tpu.memory_space<vmem>>
    %dma_start3A_5 = arith.constant 0 : i32
    %dma_start3A_6 = tpu.memref_slice %arg9[%dma_start3A_5] : memref<16xf32, #tpu.memory_space<vmem>> -> memref<1xf32, #tpu.memory_space<vmem>>
    tpu.enqueue_dma source(%arg3 : memref<1xf32, #tpu.memory_space<hbm>>) target(%dma_start3A_6 : memref<1xf32, #tpu.memory_space<vmem>>) target_semaphore(%arg14 : memref<!tpu.dma_semaphore, #tpu.memory_space<semaphore_mem>>)
    %dma_start3A_7 = arith.constant 0 : i32
    %dma_start3A_8 = tpu.memref_slice %arg10[%dma_start3A_7] : memref<16xf32, #tpu.memory_space<vmem>> -> memref<1xf32, #tpu.memory_space<vmem>>
    %dma_start3A_9 = arith.constant 0 : i32
    %dma_start3A_10 = tpu.memref_slice %arg10[%dma_start3A_9] : memref<16xf32, #tpu.memory_space<vmem>> -> memref<1xf32, #tpu.memory_space<vmem>>
    tpu.enqueue_dma source(%arg4 : memref<1xf32, #tpu.memory_space<hbm>>) target(%dma_start3A_10 : memref<1xf32, #tpu.memory_space<vmem>>) target_semaphore(%arg14 : memref<!tpu.dma_semaphore, #tpu.memory_space<semaphore_mem>>)
    %dma_start3A_11 = arith.constant 0 : i32
    %dma_start3A_12 = tpu.memref_slice %arg11[%dma_start3A_11] : memref<16xf32, #tpu.memory_space<vmem>> -> memref<1xf32, #tpu.memory_space<vmem>>
    %dma_start3A_13 = arith.constant 0 : i32
    %dma_start3A_14 = tpu.memref_slice %arg11[%dma_start3A_13] : memref<16xf32, #tpu.memory_space<vmem>> -> memref<1xf32, #tpu.memory_space<vmem>>
    tpu.enqueue_dma source(%arg5 : memref<1xf32, #tpu.memory_space<hbm>>) target(%dma_start3A_14 : memref<1xf32, #tpu.memory_space<vmem>>) target_semaphore(%arg14 : memref<!tpu.dma_semaphore, #tpu.memory_space<semaphore_mem>>)
    %dma_start3A_15 = arith.constant 0 : i32
    %dma_start3A_16 = tpu.memref_slice %arg12[%dma_start3A_15] : memref<16xi32, #tpu.memory_space<vmem>> -> memref<1xi32, #tpu.memory_space<vmem>>
    %dma_start3A_17 = arith.constant 0 : i32
    %dma_start3A_18 = tpu.memref_slice %arg12[%dma_start3A_17] : memref<16xi32, #tpu.memory_space<vmem>> -> memref<1xi32, #tpu.memory_space<vmem>>
    tpu.enqueue_dma source(%arg6 : memref<1xi32, #tpu.memory_space<hbm>>) target(%dma_start3A_18 : memref<1xi32, #tpu.memory_space<vmem>>) target_semaphore(%arg14 : memref<!tpu.dma_semaphore, #tpu.memory_space<semaphore_mem>>)
    %dma_wait3A = arith.constant 0 : i32
    %dma_wait3A_19 = tpu.memref_slice %arg8[%dma_wait3A] : memref<16xf32, #tpu.memory_space<vmem>> -> memref<1xf32, #tpu.memory_space<vmem>>
    %dma_wait3A_20 = arith.constant 0 : i32
    %dma_wait3A_21 = tpu.memref_slice %arg8[%dma_wait3A_20] : memref<16xf32, #tpu.memory_space<vmem>> -> memref<1xf32, #tpu.memory_space<vmem>>
    tpu.wait_dma2 semaphore(%arg14 : memref<!tpu.dma_semaphore, #tpu.memory_space<semaphore_mem>>) src(%arg2 : memref<1xf32, #tpu.memory_space<hbm>>) dst(%dma_wait3A_21 : memref<1xf32, #tpu.memory_space<vmem>>)
    %dma_wait3A_22 = arith.constant 0 : i32
    %dma_wait3A_23 = tpu.memref_slice %arg9[%dma_wait3A_22] : memref<16xf32, #tpu.memory_space<vmem>> -> memref<1xf32, #tpu.memory_space<vmem>>
    %dma_wait3A_24 = arith.constant 0 : i32
    %dma_wait3A_25 = tpu.memref_slice %arg9[%dma_wait3A_24] : memref<16xf32, #tpu.memory_space<vmem>> -> memref<1xf32, #tpu.memory_space<vmem>>
    tpu.wait_dma2 semaphore(%arg14 : memref<!tpu.dma_semaphore, #tpu.memory_space<semaphore_mem>>) src(%arg3 : memref<1xf32, #tpu.memory_space<hbm>>) dst(%dma_wait3A_25 : memref<1xf32, #tpu.memory_space<vmem>>)
    %dma_wait3A_26 = arith.constant 0 : i32
    %dma_wait3A_27 = tpu.memref_slice %arg10[%dma_wait3A_26] : memref<16xf32, #tpu.memory_space<vmem>> -> memref<1xf32, #tpu.memory_space<vmem>>
    %dma_wait3A_28 = arith.constant 0 : i32
    %dma_wait3A_29 = tpu.memref_slice %arg10[%dma_wait3A_28] : memref<16xf32, #tpu.memory_space<vmem>> -> memref<1xf32, #tpu.memory_space<vmem>>
    tpu.wait_dma2 semaphore(%arg14 : memref<!tpu.dma_semaphore, #tpu.memory_space<semaphore_mem>>) src(%arg4 : memref<1xf32, #tpu.memory_space<hbm>>) dst(%dma_wait3A_29 : memref<1xf32, #tpu.memory_space<vmem>>)
    %dma_wait3A_30 = arith.constant 0 : i32
    %dma_wait3A_31 = tpu.memref_slice %arg11[%dma_wait3A_30] : memref<16xf32, #tpu.memory_space<vmem>> -> memref<1xf32, #tpu.memory_space<vmem>>
    %dma_wait3A_32 = arith.constant 0 : i32
    %dma_wait3A_33 = tpu.memref_slice %arg11[%dma_wait3A_32] : memref<16xf32, #tpu.memory_space<vmem>> -> memref<1xf32, #tpu.memory_space<vmem>>
    tpu.wait_dma2 semaphore(%arg14 : memref<!tpu.dma_semaphore, #tpu.memory_space<semaphore_mem>>) src(%arg5 : memref<1xf32, #tpu.memory_space<hbm>>) dst(%dma_wait3A_33 : memref<1xf32, #tpu.memory_space<vmem>>)
    %dma_wait3A_34 = arith.constant 0 : i32
    %dma_wait3A_35 = tpu.memref_slice %arg12[%dma_wait3A_34] : memref<16xi32, #tpu.memory_space<vmem>> -> memref<1xi32, #tpu.memory_space<vmem>>
    %dma_wait3A_36 = arith.constant 0 : i32
    %dma_wait3A_37 = tpu.memref_slice %arg12[%dma_wait3A_36] : memref<16xi32, #tpu.memory_space<vmem>> -> memref<1xi32, #tpu.memory_space<vmem>>
    tpu.wait_dma2 semaphore(%arg14 : memref<!tpu.dma_semaphore, #tpu.memory_space<semaphore_mem>>) src(%arg6 : memref<1xi32, #tpu.memory_space<hbm>>) dst(%dma_wait3A_37 : memref<1xi32, #tpu.memory_space<vmem>>)
    %get3A = arith.constant 0 : index
    %get3A_38 = tpu.vector_load %arg12[%get3A] {strides = array<i32>} : memref<16xi32, #tpu.memory_space<vmem>>, vector<16xi32>,
    %get3A_39 = vector.shape_cast %get3A_38 : vector<16xi32> to vector<16xi32>
    %jit3A = arith.constant 0 : i32
    %jit3A_40 = arith.constant 0 : i32
    %max3A = vector.broadcast %jit3A : i32 to vector<16xi32>
    %max3A_41 = arith.maxsi %max3A, %get3A_39 : vector<16xi32>
    %min3A = vector.broadcast %jit3A_40 : i32 to vector<16xi32>
    %min3A_42 = arith.minsi %min3A, %max3A_41 : vector<16xi32>
    %get3A_43 = arith.constant 0 : index
    %get3A_44 = tpu.vector_load %arg8[%get3A_43] {strides = array<i32>} : memref<16xf32, #tpu.memory_space<vmem>>, vector<16xf32>,
    %get3A_45 = vector.shape_cast %get3A_44 : vector<16xf32> to vector<16xf32>
    %reshape3A = vector.shape_cast %min3A_42 : vector<16xi32> to vector<16x1xi32>
    %gather3A = vector.shape_cast %reshape3A : vector<16x1xi32> to vector<16xi32>
    %gather3A_46 = tpu.dynamic_gather %get3A_45[%gather3A] in [0] : vector<16xf32>, vector<16xi32> -> vector<16xf32>
    %get3A_47 = arith.constant 0 : index
    %get3A_48 = tpu.vector_load %arg9[%get3A_47] {strides = array<i32>} : memref<16xf32, #tpu.memory_space<vmem>>, vector<16xf32>,
    %get3A_49 = vector.shape_cast %get3A_48 : vector<16xf32> to vector<16xf32>
    %reshape3A_50 = vector.shape_cast %min3A_42 : vector<16xi32> to vector<16x1xi32>
    %gather3A_51 = vector.shape_cast %reshape3A_50 : vector<16x1xi32> to vector<16xi32>
    %gather3A_52 = tpu.dynamic_gather %get3A_49[%gather3A_51] in [0] : vector<16xf32>, vector<16xi32> -> vector<16xf32>
    %get3A_53 = arith.constant 0 : index
    %get3A_54 = tpu.vector_load %arg10[%get3A_53] {strides = array<i32>} : memref<16xf32, #tpu.memory_space<vmem>>, vector<16xf32>,
    %get3A_55 = vector.shape_cast %get3A_54 : vector<16xf32> to vector<16xf32>
    %reshape3A_56 = vector.shape_cast %min3A_42 : vector<16xi32> to vector<16x1xi32>
    %gather3A_57 = vector.shape_cast %reshape3A_56 : vector<16x1xi32> to vector<16xi32>
    %gather3A_58 = tpu.dynamic_gather %get3A_55[%gather3A_57] in [0] : vector<16xf32>, vector<16xi32> -> vector<16xf32>
    %get3A_59 = arith.constant 0 : index
    %get3A_60 = tpu.vector_load %arg11[%get3A_59] {strides = array<i32>} : memref<16xf32, #tpu.memory_space<vmem>>, vector<16xf32>,
    %get3A_61 = vector.shape_cast %get3A_60 : vector<16xf32> to vector<16xf32>
    %reshape3A_62 = vector.shape_cast %min3A_42 : vector<16xi32> to vector<16x1xi32>
    %gather3A_63 = vector.shape_cast %reshape3A_62 : vector<16x1xi32> to vector<16xi32>
    %gather3A_64 = tpu.dynamic_gather %get3A_61[%gather3A_63] in [0] : vector<16xf32>, vector<16xi32> -> vector<16xf32>
    %add3A = arith.constant 1.000000e+03 : f32
    %add3A_65 = vector.broadcast %add3A : f32 to vector<16xf32>
    %add3A_66 = arith.addf %add3A_65, %gather3A_52 : vector<16xf32>
    %mul3A = arith.mulf %gather3A_46, %add3A_66 : vector<16xf32>
    %mul3A_67 = arith.constant 1.000000e+03 : f32
    %mul3A_68 = vector.broadcast %mul3A_67 : f32 to vector<16xf32>
    %mul3A_69 = arith.mulf %gather3A_64, %mul3A_68 : vector<16xf32>
    %add3A_70 = arith.addf %gather3A_58, %mul3A_69 : vector<16xf32>
    %mul3A_71 = arith.constant 1.500000e+00 : f32
    %mul3A_72 = vector.broadcast %mul3A_71 : f32 to vector<16xf32>
    %mul3A_73 = arith.mulf %add3A_66, %mul3A_72 : vector<16xf32>
    %add3A_74 = arith.addf %add3A_70, %mul3A_73 : vector<16xf32>
    %div3A = arith.divf %mul3A, %add3A_74 : vector<16xf32>
    %swap3A = arith.constant 0 : index
    %swap3A_75 = tpu.vector_load %arg13[%swap3A] {strides = array<i32>} : memref<16xf32, #tpu.memory_space<vmem>>, vector<16xf32>,
    %swap3A_76 = vector.shape_cast %swap3A_75 : vector<16xf32> to vector<16xf32>
    %swap3A_77 = vector.shape_cast %div3A : vector<16xf32> to vector<16xf32>
    tpu.vector_store %arg13[%swap3A], %swap3A_77 {strides = array<i32>} : memref<16xf32, #tpu.memory_space<vmem>>, vector<16xf32>,
    "tpu.region"() ({
      %run_scoped3A = tpu.sem_alloc : memref<!tpu.dma_semaphore, #tpu.memory_space<semaphore_mem>>
      %dma_start3A_78 = arith.constant 0 : i32
      %dma_start3A_79 = tpu.memref_slice %arg13[%dma_start3A_78] : memref<16xf32, #tpu.memory_space<vmem>> -> memref<1xf32, #tpu.memory_space<vmem>>
      %dma_start3A_80 = arith.constant 0 : i32
      %dma_start3A_81 = tpu.memref_slice %arg13[%dma_start3A_80] : memref<16xf32, #tpu.memory_space<vmem>> -> memref<1xf32, #tpu.memory_space<vmem>>
      tpu.enqueue_dma source(%dma_start3A_81 : memref<1xf32, #tpu.memory_space<vmem>>) target(%arg7 : memref<1xf32, #tpu.memory_space<hbm>>) target_semaphore(%run_scoped3A : memref<!tpu.dma_semaphore, #tpu.memory_space<semaphore_mem>>)
      %dma_wait3A_82 = arith.constant 0 : i32
      %dma_wait3A_83 = tpu.memref_slice %arg13[%dma_wait3A_82] : memref<16xf32, #tpu.memory_space<vmem>> -> memref<1xf32, #tpu.memory_space<vmem>>
      %dma_wait3A_84 = arith.constant 0 : i32
      %dma_wait3A_85 = tpu.memref_slice %arg13[%dma_wait3A_84] : memref<16xf32, #tpu.memory_space<vmem>> -> memref<1xf32, #tpu.memory_space<vmem>>
      tpu.wait_dma2 semaphore(%run_scoped3A : memref<!tpu.dma_semaphore, #tpu.memory_space<semaphore_mem>>) src(%dma_wait3A_85 : memref<1xf32, #tpu.memory_space<vmem>>) dst(%arg7 : memref<1xf32, #tpu.memory_space<hbm>>)
      tpu.yield
    }) : () -> ()
    return
  }
}

</mosaic_0001>

<sc_bundles>
// kernel: kernel.3.cloned.1.call-start
scs
__scs_entry_jumppad:
0x0: {  	(pc) =	sbr.rel $0x88, $3  }
0x1: {  	(tag) =	ssettag $0x0;
	lr =	simm.s32 $0x1  }
0x2: {  	[smem:$0x3F9C] =	sst lr;
	_ =	strace $0xD0000000  }
0x3: {  	_ = 	snop  }
0x4: {  	_ = 	snop  }
0x5: {  	_ = 	snop  }
0x6: {  	_ = 	snop  }
0x7: {  	_ = 	snop  }
__scs_overlays_trampoline_lowered:
0x8: {  	[smem:$0x3FAB] =	sst s0  }
0x9: {  	[smem:$0x3FAC] =	sst s1  }
0xa: {  	[smem:$0x3FAD] =	sst s2  }
0xb: {  	[smem:$0x3FAE] =	sst s3  }
0xc: {  	[smem:$0x3FAF] =	sst s4  }
0xd: {  	[smem:$0x3FB0] =	sst s5  }
0xe: {  	[smem:$0x3FB1] =	sst s6  }
0xf: {  	[smem:$0x3FB2] =	sst s7  }
0x10: {  	[smem:$0x3FB3] =	sst s8  }
0x11: {  	[smem:$0x3FB4] =	sst s9;
	s0 =	simm.s32 @!p0 $0x0  }
0x12: {  	s1 =	sld [smem:$0x3F9A];
	s0 =	simm.s32 @p0 $0x1  }
0x13: {  	[smem:$0x3FB5] =	sst s0;
	s0 =	simm.s32 @!p1 $0x0  }
0x14: {  	s2 =	sld [smem:$0x3F99];
	s0 =	simm.s32 @p1 $0x1  }
0x15: {  	[smem:$0x3FB6] =	sst s0;
	s0 =	simm.s32 @!p2 $0x0  }
0x16: {  	s3 =	sld [smem:$0x3FDB];
	s0 =	simm.s32 @p2 $0x1  }
0x17: {  	s4 =	simm.s32 $0x1BF5;
	[smem:$0x3FB8] =	sst s0  }
0x18: {  	s0 =	sld [smem:$0x3F9B];
	_ =	swait.ge [sflag:s4], $0x0  }
0x19: {  	s7 =	sld [smem:$0x3F9C]  }
0x1a: {  	s8 =	sadd.s32 $0xFFFFE003, lr  }
0x1b: {  	s9 =	sadd.s32 $0xFFFFFEF7, lr;
	s5 =	simm.s32 $0xFFFFFFFF;
	p2 =	slt.u32 s8, $0xFFFFF086  }
0x1c: {  	p1 =	slt.u32 s9, $0xF7A;
	s5 =	simm.s32 @!p2 $0x0  }
0x1d: {  	s5 =	simm.s32 @p1 $0x1;
	p0 =	seq.s32 s7, s2  }
0x1e: {  	s7 =	smul.u32 @!p0 $0xF7A, s2;
	p2 =	seq.s32 @!p0 s5, $0x0  }
0x1f: {  	s9 =	smul.u32 $0xF7A, s1;
	s8 =	simm.s32 @!p0 $0x1BF5;
	p2 =	por !p2, p0  }
0x20: {  	[sflag:s8] =	ssyncset.s32 @!p0 $0xFFFFF086;
	s6 =	sadd.s32 @!p0 s3, s7;
	s7 =	simm.s32 @!p0 $0x108  }
0x21: {  	s3 =	sadd.s32 s3, s9;
	s6 =	sadd.s32 @!p0 $0x88, s6;
	s7 =	simm.s32 @p2 $0x1082  }
0x22: {  	[simem:s7], [sflag:s8] =	dma.local @!p0 [hbm:s6], $0xF7A  }
0x23: {  	s9 =	sor.u32 $0xD0000000, s2;
	s6 =	simm.s32 $0x108;
	_ =	swait.ge @!p0 [sflag:s8], $0x0  }
0x24: {  	s3 =	sadd.s32 $0x88, s3;
	s6 =	simm.s32 @!p1 $0x1082;
	[sflag:s4] =	ssyncset.s32 $0xFFFFF086  }
0x25: {  	[simem:s6], [sflag:s4] =	dma.local [hbm:s3], $0xF7A  }
0x26: {  	[smem:$0x3F9C] =	sst s1;
	(tag) =	ssettag s2;
	_ =	strace s9  }
0x27: {  	s1 =	sld [smem:$0x3FAC]  }
0x28: {  	s2 =	sld [smem:$0x3FAD]  }
0x29: {  	s4 =	sld [smem:$0x3FAF]  }
0x2a: {  	p0 =	seq.s32 s5, $0x0;
	s5 =	sld [smem:$0x3FB0]  }
0x2b: {  	s6 =	sld [smem:$0x3FB1]  }
0x2c: {  	s7 =	sld [smem:$0x3FB2]  }
0x2d: {  	s3 =	simm.s32 $0x108;
	s8 =	sld [smem:$0x3FB3]  }
0x2e: {  	s3 =	simm.s32 @!p0 $0x1082;
	s9 =	sld [smem:$0x3FB4]  }
0x2f: {  	lr =	sadd.s32 s0, s3;
	s0 =	sld [smem:$0x3FAB]  }
0x30: {  	s3 =	sld [smem:$0x3FAE]  }
0x31: {  	[smem:$0x3FB7] =	sst s10  }
0x32: {  	s10 =	sld [smem:$0x3FB5];
	_ =	sdelay $0x3  }
0x33: {  	p0 =	seq.s32 s10, $0x1;
	s10 =	sld [smem:$0x3FB7];
	_ =	sdelay $0x3  }
0x34: {  	[smem:$0x3FB7] =	sst s10  }
0x35: {  	s10 =	sld [smem:$0x3FB6];
	_ =	sdelay $0x3  }
0x36: {  	p1 =	seq.s32 s10, $0x1;
	s10 =	sld [smem:$0x3FB7];
	_ =	sdelay $0x3  }
0x37: {  	[smem:$0x3FB7] =	sst s10  }
0x38: {  	s10 =	sld [smem:$0x3FB8]  }
0x39: {  	_ = 	snop;
	(pc) =	sbr.ind lr, $3  }
0x3a: {  	_ = 	snop  }
0x3b: {  	_ = 	snop  }
0x3c: {  	p2 =	seq.s32 s10, $0x1;
	s10 =	sld [smem:$0x3FB7]  }
0x3d: {  	_ =	shalt  }
0x3e: {  	_ =	shalt  }
0x3f: {  	_ =	shalt  }
0x40: {  	_ =	shalt  }
0x41: {  	_ =	shalt  }
0x42: {  	_ =	shalt  }
0x43: {  	_ =	shalt  }
0x44: {  	_ =	shalt  }
0x45: {  	_ =	shalt  }
0x46: {  	_ =	shalt  }
0x47: {  	_ =	shalt  }
0x48: {  	_ =	shalt  }
0x49: {  	_ =	shalt  }
0x4a: {  	_ =	shalt  }
0x4b: {  	_ =	shalt  }
0x4c: {  	_ =	shalt  }
0x4d: {  	_ =	shalt  }
0x4e: {  	_ =	shalt  }
0x4f: {  	_ =	shalt  }
0x50: {  	_ =	shalt  }
0x51: {  	_ =	shalt  }
0x52: {  	_ =	shalt  }
0x53: {  	_ =	shalt  }
0x54: {  	_ =	shalt  }
0x55: {  	_ =	shalt  }
0x56: {  	_ =	shalt  }
0x57: {  	_ =	shalt  }
0x58: {  	_ =	shalt  }
0x59: {  	_ =	shalt  }
0x5a: {  	_ =	shalt  }
0x5b: {  	_ =	shalt  }
0x5c: {  	_ =	shalt  }
0x5d: {  	_ =	shalt  }
0x5e: {  	_ =	shalt  }
0x5f: {  	_ =	shalt  }
0x60: {  	_ =	shalt  }
0x61: {  	_ =	shalt  }
0x62: {  	_ =	shalt  }
0x63: {  	_ =	shalt  }
0x64: {  	_ =	shalt  }
0x65: {  	_ =	shalt  }
0x66: {  	_ =	shalt  }
0x67: {  	_ =	shalt  }
0x68: {  	_ =	shalt  }
0x69: {  	_ =	shalt  }
0x6a: {  	_ =	shalt  }
0x6b: {  	_ =	shalt  }
0x6c: {  	_ =	shalt  }
0x6d: {  	_ =	shalt  }
0x6e: {  	_ =	shalt  }
0x6f: {  	_ =	shalt  }
0x70: {  	_ =	shalt  }
0x71: {  	_ =	shalt  }
0x72: {  	_ =	shalt  }
0x73: {  	_ =	shalt  }
0x74: {  	_ =	shalt  }
0x75: {  	_ =	shalt  }
0x76: {  	_ =	shalt  }
0x77: {  	_ =	shalt  }
0x78: {  	_ =	shalt  }
0x79: {  	_ =	shalt  }
0x7a: {  	_ =	shalt  }
0x7b: {  	_ =	shalt  }
0x7c: {  	_ =	shalt  }
0x7d: {  	_ =	shalt  }
0x7e: {  	_ =	shalt  }
0x7f: {  	_ =	shalt  }
0x80: {  	_ =	shalt  }
0x81: {  	_ =	shalt  }
0x82: {  	_ =	shalt  }
0x83: {  	_ =	shalt  }
0x84: {  	_ =	shalt  }
0x85: {  	_ =	shalt  }
0x86: {  	_ =	shalt  }
0x87: {  	_ =	shalt  }
.Lfunc_end0:
.L_simem_size_0:
called_computation_lowered:
.L_overlay_start_0:
0x88: {  	s0 =	sld [smem:$0x3FD9]  }
0x89: {  	s1 =	sld [smem:$0x3FFE];
	_ =	sdelay $0x3  }
0x8a: {  	s0 =	sadd.s32 s1, s0  }
0x8b: {  	[smem:$0x3FC3] =	sst s0  }
0x8c: {  	_ = 	snop  }
0x8d: {  	s0 =	sld [smem:$0x3FC9]  }
0x8e: {  	s17 =	sld [smem:$0x3FC8]  }
0x8f: {  	s2 =	sld [smem:$0x3FC7]  }
0x90: {  	s3 =	sld [smem:$0x3FC6]  }
0x91: {  	s4 =	sld [smem:$0x3FC5]  }
0x92: {  	s5 =	sld [smem:$0x3FD0];
	(tm) =	ssettm $0x1  }
0x93: {  	s6 =	sld [smem:$0x3FFB];
	_ =	sdelay $0x3  }
0x94: {  	_ =	strace s6  }
0x95: {  	s6 =	sld [smem:$0x3FFC];
	_ =	sdelay $0x3  }
0x96: {  	_ =	strace s6  }
0x97: {  	s6 =	sld [smem:$0x3FFD];
	_ =	sdelay $0x3  }
0x98: {  	_ =	strace s6  }
0x99: {  	_ =	strace $0x8FFFFFFF  }
0x9a: {  	s18 =	sld [smem:$0x3FDB];
	_ =	sdelay $0x1  }
0x9b: {  	s7 =	simm.s32 $_scs_section_size  }
0x9c: {  	s8 =	simm.s32 $_size__tile_overlayer_lowered;
	s9 =	simm.s32 $_tile_overlayer_lowered  }
0x9d: {  	s21 =	simm.s32 $0x1BFF;
	s20 =	sshll.u32 s9, $0x1;
	s6 =	sadd.s32 s7, s18  }
0x9e: {  	s10 =	simm.s32 $0x0;
	s19 =	sshll.u32 s8, $0x1;
	s8 =	sadd.s32 s20, s6  }
0x9f: {  	[timem:s10], [sflag:s21] =	dma.local [hbm:s8], s19  }
0xa0: {  	_ =	swait.ge [sflag:s21], s19  }
0xa1: {  	s7 =	ssub.s32 $0x0, s19;
	[sflag:s21] =	ssyncset.done $0x0  }
0xa2: {  	[sflag:s21] =	ssyncadd.s32 s7;
	_ =	sdelay $0x1  }
0xa3: {  	s22 =	simm.s32 $0x1B8B  }
0xa4: {  	_ =	swait.ge [sflag:s22], $0x1  }
0xa5: {  	[sflag:s22] =	ssyncset.done $0x0  }
0xa6: {  	s23 =	simm.s32 $0x1B8E;
	[sflag:s22] =	ssyncadd.s32 $0xFFFFFFFF  }
0xa7: {  	s24 =	simm.s32 $execute0_lowered;
	[smem:$0x3FD2] =	sst s23  }
0xa8: {  	s7 =	sshll.u32 s24, $0x1;
	_ =	strace $0x80000046;
	[dreg:$0x1] =	wrdreg $0xFFFFFFFF  }
0xa9: {  	s25 =	simm.s32 $_size_execute0_lowered;
	s6 =	sadd.s32 s6, s7;
	[dreg:$0x0] =	wrdreg $0x0  }
0xaa: {  	s7 =	sshll.u32 s25, $0x1;
	[dreg:$0x2] =	wrdreg s6  }
0xab: {  	[dreg:$0x3] =	wrdreg s7  }
0xac: {  	[dreg:$0x4] =	wrdreg $0xC0  }
0xad: {  	_ =	task [dreg:s10], $0x5FFFF  }
0xae: {  	[dreg:$0x1] =	wrdreg $0xFFFFFFFF  }
0xaf: {  	[dreg:$0x0] =	wrdreg $0x60  }
0xb0: {  	[dreg:$0x2] =	wrdreg s0  }
0xb1: {  	[dreg:$0x3] =	wrdreg s17  }
0xb2: {  	[dreg:$0x4] =	wrdreg s2  }
0xb3: {  	[dreg:$0x5] =	wrdreg s3  }
0xb4: {  	[dreg:$0x6] =	wrdreg s4  }
0xb5: {  	[dreg:$0x7] =	wrdreg s5  }
0xb6: {  	[dreg:$0x8] =	wrdreg $0x9  }
0xb7: {  	_ =	task.clear_ibuf [dreg:s10], $0x9FFFF;
	_ =	strace $0x90000046  }
0xb8: {  	s26 =	simm.s32 $0x9;
	_ =	strace $0x80000048  }
0xb9: {  	_ =	swait.ge [sflag:s26], $0x1  }
0xba: {  	[sflag:s26] =	ssyncadd.s32 $0xFFFFFFFF  }
0xbb: {  	_ =	strace $0x90000048  }
0xbc: {  	_ =	sfence  }
0xbd: {  	s28 =	sld [smem:$0x0];
	_ =	sdelay $0x1  }
0xbe: {  	s29 =	srdreg.scid  }
0xbf: {  	s30 =	sshll.u32 s29, $0xD;
	s31 =	sshrl.u32 s29, $0x2  }
0xc0: {  	s1 =	sand.u32 $0x1, s29;
	s2 =	sand.u32 $0x4000, s30;
	s0 =	sadd.s32 s31, s28  }
0xc1: {  	s1 =	sor.u32 s2, s1;
	s0 =	sshll.u32 s0, $0x11  }
0xc2: {  	s0 =	sor.u32 s0, s1  }
0xc3: {  	s0 =	sadd.s32 $0x8F2B, s0  }
0xc4: {  	[sflag:s0] =	ssyncadd.remote.s32 $0x1  }
0xc5: {  	_ =	sfence.sel $0xFFFF  }
0xc6: {  	[dreg:$0x0] =	wrdreg $0xFFFFFFFF;
	(pc) =	sbr.abs _section_cstart, $3  }
0xc7: {  	[dreg:$0x1] =	wrdreg $0xFFFFFFFF  }
0xc8: {  	_ =	task.clear_ibuf [dreg:s10], $0x2FFFF;
	_ =	strace $0x9FFFFFFF  }
0xc9: {  	(tm) =	ssettm $0x7FFFFFFF  }
tec
execute0_lowered:
.L_overlay_start_1:
0x0: {  	(tag) =	ssettag $0x1  }
0x1: {  	s0 =	rddreg [dreg:$0x0]  }
0x2: {  	s1 =	rddreg [dreg:$0x1]  }
0x3: {  	s2 =	rddreg [dreg:$0x2]  }
0x4: {  	s3 =	rddreg [dreg:$0x3]  }
0x5: {  	s4 =	rddreg [dreg:$0x4];
	s6 =	stileid.u32  }
0x6: {  	s5 =	rddreg [dreg:$0x5];
	p0 =	sne.s32 s6, $0x0  }
0x7: {  	s7 =	rddreg [dreg:$0x6];
	_ =	strace $0x80000047;
	s6 =	simm.s32 @!p0 $0x0  }
0x8: {  	[tilespmem:s6], [sflag:$0x1] =	stream.linear.gather @!p0 [hbm4b:s0+s6], $0x1, $0x38;
	[tilespmem:$0x300] =	vst v63  }
0x9: {  	s0 =	simm.s32 @!p0 $0x80  }
0xa: {  	[tilespmem:s0], [sflag:$0x1] =	stream.linear.gather @!p0 [hbm4b:s1+s6], $0x1, $0x38;
	[tilespmem:$0x300] =	vst v63  }
0xb: {  	s0 =	simm.s32 @!p0 $0x100  }
0xc: {  	[tilespmem:s0], [sflag:$0x1] =	stream.linear.gather @!p0 [hbm4b:s2+s6], $0x1, $0x38;
	[tilespmem:$0x300] =	vst v63  }
0xd: {  	s0 =	simm.s32 @!p0 $0x180  }
0xe: {  	[tilespmem:s0], [sflag:$0x1] =	stream.linear.gather @!p0 [hbm4b:s3+s6], $0x1, $0x38;
	[tilespmem:$0x300] =	vst v63  }
0xf: {  	s0 =	simm.s32 @!p0 $0x200  }
0x10: {  	[tilespmem:s0], [sflag:$0x1] =	stream.linear.gather @!p0 [hbm4b:s4+s6], $0x1, $0x38;
	[tilespmem:$0x300] =	vst v63  }
0x11: {  	s0 =	simm.s32 @!p0 $0x1  }
0x12: {  	_ =	swait.ge @!p0 [sflag:s0], $0x1  }
0x13: {  	[sflag:s0] =	ssyncset.done @!p0 $0x0  }
0x14: {  	[sflag:s0] =	ssyncadd.s32 @!p0 $0xFFFFFFFF  }
0x15: {  	_ =	swait.ge @!p0 [sflag:s0], $0x1  }
0x16: {  	[sflag:s0] =	ssyncset.done @!p0 $0x0  }
0x17: {  	[sflag:s0] =	ssyncadd.s32 @!p0 $0xFFFFFFFF  }
0x18: {  	_ =	swait.ge @!p0 [sflag:s0], $0x1  }
0x19: {  	[sflag:s0] =	ssyncset.done @!p0 $0x0  }
0x1a: {  	[sflag:s0] =	ssyncadd.s32 @!p0 $0xFFFFFFFF  }
0x1b: {  	_ =	swait.ge @!p0 [sflag:s0], $0x1  }
0x1c: {  	[sflag:s0] =	ssyncset.done @!p0 $0x0  }
0x1d: {  	[sflag:s0] =	ssyncadd.s32 @!p0 $0xFFFFFFFF  }
0x1e: {  	_ =	swait.ge @!p0 [sflag:s0], $0x1  }
0x1f: {  	[sflag:s0] =	ssyncset.done @!p0 $0x0  }
0x20: {  	[sflag:s0] =	ssyncadd.s32 @!p0 $0xFFFFFFFF  }
0x21: {  	v0 =	vld @!p0 [tilespmem:$0x80]  }
0x22: {  	v1 =	vld @!p0 [tilespmem:$0x180];
	_ =	sdelay $0x1  }
0x23: {  	v2 =	vld @!p0 [tilespmem:$0x100];
	_ =	sdelay $0x1  }
0x24: {  	v3 =	vimm.s32 @!p0 $0x0  }
0x25: {  	v0 =	vperm.xlane @!p0 v0, v3;
	v1 =	vperm.xlane @!p0 v1, v3;
	_ =	sdelay $0x1  }
0x26: {  	v2 =	vperm.xlane @!p0 v2, v3;
	v0 =	vadd.f32 @!p0 $1.000000000e+03, v0;
	v1 =	vmul.f32 @!p0 $1.000000000e+03, v1;
	_ =	sdelay $0x1  }
0x27: {  	v1 =	vadd.f32 @!p0 v1, v2;
	v2 =	vmul.f32 @!p0 $1.500000000e+00, v0;
	_ =	sdelay $0x1  }
0x28: {  	v1 =	vadd.f32 @!p0 v1, v2;
	_ =	sdelay $0x1  }
0x29: {  	(erf) = vrcp.f32 @!p0 v1;
	v1 =	vld @!p0 [tilespmem:$0x0];
	_ =	sdelay $0x4  }
0x2a: {  	v1 =	vperm.xlane @!p0 v1, v3;
	_ =	sdelay $0x2  }
0x2b: {  	v0 =	vmul.f32 @!p0 v0, v1  }
0x2c: {  	v1 =	vpop @!p0 (erf)  }
0x2d: {  	v0 =	vmul.f32 @!p0 v1, v0;
	_ =	sdelay $0x1  }
0x2e: {  	s0 =	simm.s32 @!p0 $0x280;
	[tilespmem:$0x280] =	vst @!p0 v0  }
0x2f: {  	[hbm4b:s5+s6] =	stream.linear.scatter @!p0 [tilespmem:s0], [sflag:$0x2], $0x1, $0x38;
	[tilespmem:$0x300] =	vst v63  }
0x30: {  	s0 =	simm.s32 @!p0 $0x2  }
0x31: {  	_ =	swait.ge @!p0 [sflag:s0], $0x1  }
0x32: {  	[sflag:s0] =	ssyncset.done @!p0 $0x0  }
0x33: {  	[sflag:s0] =	ssyncadd.s32 @!p0 $0xFFFFFFFF  }
0x34: {  	_ =	sfence.sel $0x180000  }
0x35: {  	[bflag:$0x0] =	sbarrier.arrive $0xFFFF  }
0x36: {  	_ =	strace $0x90000047  }
0x37: {  	s0 =	sadd.s32 @!p0 $0x100000, s7;
	[bflag:$0x2] =	sbarrier.arrive $0xFFFF  }
0x38: {  	[sflag:s0] =	ssyncadd.tile.s32 @!p0 $0x1;
	_ =	shalt  }
.Lfunc_end2:
_tile_overlayer_lowered:
.L_overlay_start_2:
0x39: {  	(tag) =	ssettag $0x2  }
0x3a: {  	s0 =	rddreg [dreg:$0x0];
	s2 =	stileid.u32  }
0x3b: {  	s1 =	rddreg [dreg:$0x1];
	p0 =	sne.s32 s2, $0x0  }
0x3c: {  	s3 =	rddreg [dreg:$0x2];
	[bflag:$0x3] =	sbarrier.arrive $0xFFFF;
	s2 =	simm.s32 @!p0 $0x1C02  }
0x3d: {  	[timem:s3], [sflag:s2] =	dma.local @!p0 [hbm:s0], s1  }
0x3e: {  	s0 =	simm.s32 @!p0 $0x2  }
0x3f: {  	_ =	swait.ge @!p0 [sflag:s0], s1  }
0x40: {  	s1 =	ssub.s32 @!p0 $0x0, s1;
	[sflag:s0] =	ssyncset.done @!p0 $0x0  }
0x41: {  	[sflag:s0] =	ssyncadd.s32 @!p0 s1  }
0x42: {  	[bflag:$0x3] =	sbarrier.arrive $0xFFFF  }
0x43: {  	_ =	shalt  }

</sc_bundles>
